<compile_context>
chip_gen: v7x
topology: tpu7x:2x2x1
jax: 0.10.2.dev20260603
libtpu: 0.0.44.dev20260713+nightly
codegen_flags: <defaults>
</compile_context>

<pallas_src>
import functools

import jax
import jax.numpy as jnp
from jax import lax
from jax.experimental import pallas as pl
from jax.experimental.pallas import tpu as pltpu
from jax.experimental.pallas import tpu_sc as plsc

NC = 2
NS = 16
NW = NC * NS
CH = 128
DPAD1 = 16
DPAD2 = 8

F32 = jnp.float32


def _leaky(v):
    return jnp.where(v >= 0, v, 0.01 * v)


def _row_chunk(rpt):
    best = 8
    for czc in range(8, min(rpt, 512) + 1, 8):
        if rpt % czc == 0:
            best = czc
    return best


def _sc_mesh():
    return plsc.VectorSubcoreMesh(core_axis_name="c", subcore_axis_name="s",
                                  num_cores=NC, num_subcores=NS)


_SC_PARAMS = pltpu.CompilerParams(use_tc_tiling_on_sc=False)



U = 4


@functools.partial(jax.jit, static_argnames=("np_", "nc_"))
def _sc_degree(dst3, zeros_r, np_, nc_):
    rpt = np_ // NS

    def body(dst_hbm, zer_hbm, out_hbm, d0, d1, d2, d3, ones_v, buf_v,
             acc_sh, s0, s1, s2, s3):
        dsts = [d0, d1, d2, d3]
        sems = [s0, s1, s2, s3]
        c = lax.axis_index("c")
        s = lax.axis_index("s")
        w = c * NS + s
        base = pl.multiple_of(s * rpt, 8)
        pltpu.sync_copy(zer_hbm, buf_v)
        pltpu.sync_copy(buf_v, acc_sh.at[pl.ds(base, rpt)])
        for i in range(CH // 16):
            ones_v[pl.ds(16 * i, 16)] = jnp.full((16,), 1.0, F32)
        plsc.subcore_barrier()

        @pl.loop(0, nc_ // U)
        def _(t):
            hs = [pltpu.async_copy(dst_hbm.at[w, t * U + u], dsts[u], sems[u])
                  for u in range(U)]
            for u in range(U):
                hs[u].wait()
                pltpu.sync_copy(ones_v, acc_sh.at[dsts[u]], add=True)

        plsc.subcore_barrier()
        obase = pl.multiple_of(c * np_ + s * rpt, 8)
        pltpu.sync_copy(acc_sh.at[pl.ds(base, rpt)], buf_v)
        pltpu.sync_copy(buf_v, out_hbm.at[pl.ds(obase, rpt)])

    return pl.kernel(
        body,
        out_type=jax.ShapeDtypeStruct((NC * np_,), F32),
        mesh=_sc_mesh(),
        compiler_params=_SC_PARAMS,
        scratch_types=[
            pltpu.VMEM((CH,), jnp.int32),
            pltpu.VMEM((CH,), jnp.int32),
            pltpu.VMEM((CH,), jnp.int32),
            pltpu.VMEM((CH,), jnp.int32),
            pltpu.VMEM((CH,), F32),
            pltpu.VMEM((rpt,), F32),
            pltpu.VMEM_SHARED((np_,), F32),
            pltpu.SemaphoreType.DMA,
            pltpu.SemaphoreType.DMA,
            pltpu.SemaphoreType.DMA,
            pltpu.SemaphoreType.DMA,
        ],
    )(dst3, zeros_r)


@functools.partial(jax.jit, static_argnames=("np_", "nc_", "d", "colsplit"))
def _sc_aggregate(src3, dst3, table, zeros_cd, np_, nc_, d, colsplit):
    rpt = np_ // NS
    cz = _row_chunk(rpt)

    def body(src_hbm, dst_hbm, tab_hbm, zer_hbm, out_hbm,
             sv0, sv1, sv2, sv3, dv0, dv1, dv2, dv3, rv0, rv1, rv2, rv3,
             buf_v, acc_sh,
             is0, is1, is2, is3, js0, js1, js2, js3, gs0, gs1, gs2, gs3):
        srcs = [sv0, sv1, sv2, sv3]
        dsts = [dv0, dv1, dv2, dv3]
        rows = [rv0, rv1, rv2, rv3]
        isems = [is0, is1, is2, is3]
        jsems = [js0, js1, js2, js3]
        gsems = [gs0, gs1, gs2, gs3]
        c = lax.axis_index("c")
        s = lax.axis_index("s")
        w = c * NS + s
        pltpu.sync_copy(zer_hbm, buf_v)

        @pl.loop(0, rpt // cz)
        def _(k):
            zb = pl.multiple_of(s * rpt + k * cz, 8)
            pltpu.sync_copy(buf_v, acc_sh.at[pl.ds(zb, cz)])

        plsc.subcore_barrier()

        if colsplit:
            tab = tab_hbm.at[c]
            def chunk(hbm, j):
                return hbm.at[s, j]
        else:
            tab = tab_hbm
            def chunk(hbm, j):
                return hbm.at[w, j]

        @pl.loop(0, nc_ // U)
        def _(t):
            ihs = [(pltpu.async_copy(chunk(src_hbm, t * U + u), srcs[u],
                                     isems[u]),
                    pltpu.async_copy(chunk(dst_hbm, t * U + u), dsts[u],
                                     jsems[u]))
                   for u in range(U)]
            ghs = []
            for u in range(U):
                ihs[u][0].wait()
                ghs.append(pltpu.async_copy(tab.at[srcs[u]], rows[u],
                                            gsems[u]))
            for u in range(U):
                ghs[u].wait()
                ihs[u][1].wait()
                pltpu.sync_copy(rows[u], acc_sh.at[dsts[u]], add=True)

        plsc.subcore_barrier()

        @pl.loop(0, rpt // cz)
        def _(k):
            ib = pl.multiple_of(s * rpt + k * cz, 8)
            ob = pl.multiple_of(c * np_ + s * rpt + k * cz, 8)
            pltpu.sync_copy(acc_sh.at[pl.ds(ib, cz)], buf_v)
            pltpu.sync_copy(buf_v, out_hbm.at[pl.ds(ob, cz)])

    return pl.kernel(
        body,
        out_type=jax.ShapeDtypeStruct((NC * np_, d), F32),
        mesh=_sc_mesh(),
        compiler_params=_SC_PARAMS,
        scratch_types=(
            [pltpu.VMEM((CH,), jnp.int32)] * 8
            + [pltpu.VMEM((CH, d), F32)] * 4
            + [pltpu.VMEM((cz, d), F32),
               pltpu.VMEM_SHARED((np_, d), F32)]
            + [pltpu.SemaphoreType.DMA] * 12
        ),
    )(src3, dst3, table, zeros_cd)



def _tc0(xp, w1p, bn, np_):
    fin = xp.shape[1]
    fo = w1p.shape[1]

    def body(x_ref, w_ref, h_ref):
        h_ref[...] = jnp.dot(x_ref[...], w_ref[...],
                             preferred_element_type=F32)

    return pl.pallas_call(
        body,
        grid=(np_ // bn,),
        in_specs=[
            pl.BlockSpec((bn, fin), lambda i: (i, 0)),
            pl.BlockSpec((fin, fo), lambda i: (0, 0)),
        ],
        out_specs=pl.BlockSpec((bn, fo), lambda i: (i, 0)),
        out_shape=jax.ShapeDtypeStruct((np_, fo), F32),
    )(xp, w1p)


def _tc1(h1, deg2, bn, np_):
    fo = h1.shape[1]
    half = fo // 2
    nb = np_ // bn

    def body(h_ref, da_ref, db_ref, hn_ref, di_ref):
        deg = da_ref[...] + db_ref[...] + 1.0
        dinv = lax.rsqrt(deg)
        h = h_ref[...]
        hn = h * dinv
        zpad = jnp.zeros((h.shape[0], DPAD1 - half), F32)
        hn_ref[0] = jnp.concatenate([hn[:, :half], zpad], axis=1)
        hn_ref[1] = jnp.concatenate([hn[:, half:], zpad], axis=1)
        di_ref[...] = dinv

    return pl.pallas_call(
        body,
        grid=(np_ // bn,),
        in_specs=[
            pl.BlockSpec((bn, fo), lambda i: (i, 0)),
            pl.BlockSpec((bn, 1), lambda i: (i, 0)),
            pl.BlockSpec((bn, 1), lambda i, nb=nb: (i + nb, 0)),
        ],
        out_specs=[
            pl.BlockSpec((NC, bn, DPAD1), lambda i: (0, i, 0)),
            pl.BlockSpec((bn, 1), lambda i: (i, 0)),
        ],
        out_shape=[
            jax.ShapeDtypeStruct((NC, np_, DPAD1), F32),
            jax.ShapeDtypeStruct((np_, 1), F32),
        ],
    )(h1, deg2, deg2)


def _tc2(acc, h1, dinv, b1p, w2, bn, np_):
    fo = h1.shape[1]
    half = fo // 2
    f3 = w2.shape[1]
    nb = np_ // bn

    def body(aa_ref, ab_ref, h_ref, di_ref, b_ref, w_ref, h3_ref, hn3_ref):
        dinv_c = di_ref[...]
        agg = jnp.concatenate([aa_ref[...][:, :half], ab_ref[...][:, :half]],
                              axis=1)
        out1 = dinv_c * agg + (dinv_c * dinv_c) * h_ref[...] + b_ref[...]
        out1 = _leaky(out1)
        h2 = jnp.maximum(out1[:, :half], out1[:, half:])
        h3 = jnp.dot(h2, w_ref[...], preferred_element_type=F32)
        h3_ref[...] = h3
        hn3 = h3 * dinv_c
        zpad = jnp.zeros((h3.shape[0], DPAD2 - f3), F32)
        hn3_ref[...] = jnp.concatenate([hn3, zpad], axis=1)

    return pl.pallas_call(
        body,
        grid=(np_ // bn,),
        in_specs=[
            pl.BlockSpec((bn, DPAD1), lambda i: (i, 0)),
            pl.BlockSpec((bn, DPAD1), lambda i, nb=nb: (i + nb, 0)),
            pl.BlockSpec((bn, fo), lambda i: (i, 0)),
            pl.BlockSpec((bn, 1), lambda i: (i, 0)),
            pl.BlockSpec((1, fo), lambda i: (0, 0)),
            pl.BlockSpec((half, f3), lambda i: (0, 0)),
        ],
        out_specs=[
            pl.BlockSpec((bn, f3), lambda i: (i, 0)),
            pl.BlockSpec((bn, DPAD2), lambda i: (i, 0)),
        ],
        out_shape=[
            jax.ShapeDtypeStruct((np_, f3), F32),
            jax.ShapeDtypeStruct((np_, DPAD2), F32),
        ],
    )(acc, acc, h1, dinv, b1p, w2)


def _tc3(acc, h3, dinv, b2, wl, bl, bn, np_, n):
    f3 = h3.shape[1]
    fl = wl.shape[1]
    nb = np_ // bn

    def body(aa_ref, ab_ref, h_ref, di_ref, b2_ref, w_ref, bl_ref, o_ref):
        dinv_c = di_ref[...]
        agg = aa_ref[...][:, :f3] + ab_ref[...][:, :f3]
        out2 = dinv_c * agg + (dinv_c * dinv_c) * h_ref[...] + b2_ref[...]
        out2 = _leaky(out2)
        o_ref[...] = (jnp.dot(out2, w_ref[...], preferred_element_type=F32)
                      + bl_ref[...])

    return pl.pallas_call(
        body,
        grid=(np_ // bn,),
        in_specs=[
            pl.BlockSpec((bn, DPAD2), lambda i: (i, 0)),
            pl.BlockSpec((bn, DPAD2), lambda i, nb=nb: (i + nb, 0)),
            pl.BlockSpec((bn, f3), lambda i: (i, 0)),
            pl.BlockSpec((bn, 1), lambda i: (i, 0)),
            pl.BlockSpec((1, f3), lambda i: (0, 0)),
            pl.BlockSpec((f3, fl), lambda i: (0, 0)),
            pl.BlockSpec((1, fl), lambda i: (0, 0)),
        ],
        out_specs=pl.BlockSpec((bn, fl), lambda i: (i, 0)),
        out_shape=jax.ShapeDtypeStruct((n, fl), F32),
    )(acc, acc, h3, dinv, b2, wl, bl)



def kernel(x, edge_index, W1, b1, W2, b2, Wl, bl):
    n = x.shape[0]
    e = edge_index.shape[1]
    fo = W1.shape[1]
    half = fo // 2
    f3 = W2.shape[1]

    rpt = -(-(n + 1) // (NS * 8)) * 8
    np_ = rpt * NS
    nc_ = -(-(-(-e // (NW * CH))) // U) * U
    ep = NW * CH * nc_

    perm = jnp.arange(fo).reshape(fo // 2, 2).T.reshape(fo)
    w1p = W1[:, perm]
    b1p = b1[perm][None, :]

    src_f = jnp.concatenate(
        [edge_index[0], jnp.full((ep - e,), n, jnp.int32)])
    dst_f = jnp.concatenate(
        [edge_index[1], jnp.full((ep - e,), n, jnp.int32)])
    src2 = src_f.reshape(NW, nc_, CH)
    dst2 = dst_f.reshape(NW, nc_, CH)
    src1 = src_f.reshape(NS, NC * nc_, CH)
    dst1 = dst_f.reshape(NS, NC * nc_, CH)
    xp = jnp.concatenate(
        [x, jnp.zeros((np_ - n, x.shape[1]), F32)], axis=0)

    cz = _row_chunk(rpt)
    zer_r = jnp.zeros((rpt,), F32)
    zer_ch = jnp.zeros((cz, DPAD1), F32)
    zer_cf = jnp.zeros((cz, DPAD2), F32)

    bn = np_ // 32

    h1 = _tc0(xp, w1p, bn, np_)
    deg = _sc_degree(dst2, zer_r, np_=np_, nc_=nc_)
    tab1, dinv = _tc1(h1, deg.reshape(NC * np_, 1), bn, np_)
    acc1 = _sc_aggregate(src1, dst1, tab1, zer_ch,
                         np_=np_, nc_=NC * nc_, d=DPAD1, colsplit=True)
    h3, hn3 = _tc2(acc1, h1, dinv, b1p, W2, bn, np_)
    acc2 = _sc_aggregate(src2, dst2, hn3, zer_cf,
                         np_=np_, nc_=nc_, d=DPAD2, colsplit=False)
    return _tc3(acc2, h3, dinv, b2[None, :], Wl, bl[None, :], bn, np_, n)

# --- scband reference (transcript-rebuilt; emitter-appended) ---
"""Pipeline reference for scband-graph-conv-net-19533511262573 (READ-ONLY COPY).

The authoritative reference and input builder live on the scoring server;
editing this copy changes nothing except your own understanding.
"""

import jax, jax.numpy as jnp
import numpy as np

N_NODES = 100000
N_EDGES = 1600000


def _leaky_relu(x):
    return jax.nn.leaky_relu(x, negative_slope=0.01)


def _gcn_conv(x, edge_index, W, b):
    # PyG-style GCNConv: add self-loops, symmetric normalization, scatter-add aggregation.
    n = x.shape[0]
    loop = jnp.arange(n, dtype=edge_index.dtype)
    src = jnp.concatenate([edge_index[0], loop])
    dst = jnp.concatenate([edge_index[1], loop])
    h = x @ W
    deg = jnp.zeros((n,), dtype=h.dtype).at[dst].add(1.0)
    dinv = jnp.where(deg > 0, jax.lax.rsqrt(deg), 0.0)
    norm = dinv[src] * dinv[dst]
    msg = h[src] * norm[:, None]
    out = jnp.zeros((n, W.shape[1]), dtype=h.dtype).at[dst].add(msg)
    return out + b


def setup_inputs(seed: int = 0) -> dict:
    key = jax.random.key(seed)
    ks = jax.random.split(key, 8)
    x = jax.random.normal(ks[0], (N_NODES, 30), dtype=jnp.float32)
    edge_index = jax.random.randint(ks[1], (2, N_EDGES), 0, N_NODES, dtype=jnp.int32)
    W1 = jax.random.normal(ks[2], (30, 20), dtype=jnp.float32) * (1.0 / np.sqrt(30.0))
    b1 = jnp.zeros((20,), dtype=jnp.float32)
    W2 = jax.random.normal(ks[3], (10, 5), dtype=jnp.float32) * (1.0 / np.sqrt(10.0))
    b2 = jnp.zeros((5,), dtype=jnp.float32)
    Wl = jax.random.normal(ks[4], (5, 2), dtype=jnp.float32) * (1.0 / np.sqrt(5.0))
    bl = jnp.zeros((2,), dtype=jnp.float32)
    return {"x": x, "edge_index": edge_index, "W1": W1, "b1": b1, "W2": W2, "b2": b2, "Wl": Wl, "bl": bl}


def reference(x, edge_index, W1, b1, W2, b2, Wl, bl):
    n = x.shape[0]
    h = _gcn_conv(x, edge_index, W1, b1)      # [N, 20]
    h = _leaky_relu(h)
    # nn.MaxPool1d(2) on a [N, 20] tensor pools over the last dim -> [N, 10]
    h = h.reshape(n, 10, 2).max(axis=-1)
    h = _gcn_conv(h, edge_index, W2, b2)      # [N, 5]
    h = _leaky_relu(h)
    out = h @ Wl + bl                          # [N, 2]
    return out

if __name__ == "__main__":
    import jax
    _d = setup_inputs()
    print(jax.jit(kernel)(*tuple(_d.values())))

</pallas_src>

<mosaic_0001>
#map = affine_map<(d0, d1) -> (0, 0, 0)>
#map1 = affine_map<(d0, d1) -> (0)>
module attributes {stable_mosaic.version = 14 : i64} {
  func.func @body(%arg0: i32, %arg1: i32, %arg2: memref<32x392x128xi32, #tpu.memory_space<hbm>>, %arg3: memref<6256xf32, #tpu.memory_space<hbm>>, %arg4: memref<200192xf32, #tpu.memory_space<hbm>>, %arg5: memref<128xi32, #tpu.memory_space<vmem>>, %arg6: memref<128xi32, #tpu.memory_space<vmem>>, %arg7: memref<128xi32, #tpu.memory_space<vmem>>, %arg8: memref<128xi32, #tpu.memory_space<vmem>>, %arg9: memref<128xf32, #tpu.memory_space<vmem>>, %arg10: memref<6256xf32, #tpu.memory_space<vmem>>, %arg11: memref<100096xf32, #tpu.memory_space<vmem_shared>>, %arg12: memref<!tpu.dma_semaphore, #tpu.memory_space<semaphore_mem>>, %arg13: memref<!tpu.dma_semaphore, #tpu.memory_space<semaphore_mem>>, %arg14: memref<!tpu.dma_semaphore, #tpu.memory_space<semaphore_mem>>, %arg15: memref<!tpu.dma_semaphore, #tpu.memory_space<semaphore_mem>>) attributes {dimension_semantics = [#tpu.dimension_semantics<core_parallel>, #tpu.dimension_semantics<subcore_parallel>], iteration_bounds = array<i64: 2, 16>, scalar_prefetch = 0 : i64, scratch_operands = 11 : i64, tpu.core_type = #tpu.core_type<sc_vector_subcore>, window_params = [{transform_indices = #map}, {transform_indices = #map1}, {transform_indices = #map1}]} {
    %mul3A = arith.constant 16 : i32
    %mul3A_0 = arith.muli %arg0, %mul3A : i32
    %add3A = arith.addi %mul3A_0, %arg1 : i32
    %mul3A_1 = arith.constant 6256 : i32
    %mul3A_2 = arith.muli %arg1, %mul3A_1 : i32
    %multiple_of3A = tpu.assume_multiple %mul3A_2, 8 : i32
    "tpu.region"() ({
      %run_scoped3A = tpu.sem_alloc : memref<!tpu.dma_semaphore, #tpu.memory_space<semaphore_mem>>
      tpu.enqueue_dma source(%arg3 : memref<6256xf32, #tpu.memory_space<hbm>>) target(%arg10 : memref<6256xf32, #tpu.memory_space<vmem>>) target_semaphore(%run_scoped3A : memref<!tpu.dma_semaphore, #tpu.memory_space<semaphore_mem>>)
      tpu.wait_dma2 semaphore(%run_scoped3A : memref<!tpu.dma_semaphore, #tpu.memory_space<semaphore_mem>>) src(%arg3 : memref<6256xf32, #tpu.memory_space<hbm>>) dst(%arg10 : memref<6256xf32, #tpu.memory_space<vmem>>)
      tpu.yield
    }) : () -> ()
    "tpu.region"() ({
      %run_scoped3A = tpu.sem_alloc : memref<!tpu.dma_semaphore, #tpu.memory_space<semaphore_mem>>
      %dma_start3A = tpu.memref_slice %arg11[%multiple_of3A] : memref<100096xf32, #tpu.memory_space<vmem_shared>> -> memref<6256xf32, #tpu.memory_space<vmem_shared>>
      %dma_start3A_60 = tpu.memref_slice %arg11[%multiple_of3A] : memref<100096xf32, #tpu.memory_space<vmem_shared>> -> memref<6256xf32, #tpu.memory_space<vmem_shared>>
      tpu.enqueue_dma source(%arg10 : memref<6256xf32, #tpu.memory_space<vmem>>) target(%dma_start3A_60 : memref<6256xf32, #tpu.memory_space<vmem_shared>>) target_semaphore(%run_scoped3A : memref<!tpu.dma_semaphore, #tpu.memory_space<semaphore_mem>>)
      %dma_wait3A = tpu.memref_slice %arg11[%multiple_of3A] : memref<100096xf32, #tpu.memory_space<vmem_shared>> -> memref<6256xf32, #tpu.memory_space<vmem_shared>>
      %dma_wait3A_61 = tpu.memref_slice %arg11[%multiple_of3A] : memref<100096xf32, #tpu.memory_space<vmem_shared>> -> memref<6256xf32, #tpu.memory_space<vmem_shared>>
      tpu.wait_dma2 semaphore(%run_scoped3A : memref<!tpu.dma_semaphore, #tpu.memory_space<semaphore_mem>>) src(%arg10 : memref<6256xf32, #tpu.memory_space<vmem>>) dst(%dma_wait3A_61 : memref<6256xf32, #tpu.memory_space<vmem_shared>>)
      tpu.yield
    }) : () -> ()
    %broadcast_in_dim3A = arith.constant 1.000000e+00 : f32
    %broadcast_in_dim3A_3 = vector.broadcast %broadcast_in_dim3A : f32 to vector<16xf32>
    %swap3A = arith.constant 0 : index
    %swap3A_4 = tpu.vector_load %arg9[%swap3A] {strides = array<i32>} : memref<128xf32, #tpu.memory_space<vmem>>, vector<16xf32>,
    %swap3A_5 = vector.shape_cast %swap3A_4 : vector<16xf32> to vector<16xf32>
    %swap3A_6 = vector.shape_cast %broadcast_in_dim3A_3 : vector<16xf32> to vector<16xf32>
    tpu.vector_store %arg9[%swap3A], %swap3A_6 {strides = array<i32>} : memref<128xf32, #tpu.memory_space<vmem>>, vector<16xf32>,
    %broadcast_in_dim3A_7 = arith.constant 1.000000e+00 : f32
    %broadcast_in_dim3A_8 = vector.broadcast %broadcast_in_dim3A_7 : f32 to vector<16xf32>
    %swap3A_9 = arith.constant 16 : index
    %swap3A_10 = tpu.vector_load %arg9[%swap3A_9] {strides = array<i32>} : memref<128xf32, #tpu.memory_space<vmem>>, vector<16xf32>,
    %swap3A_11 = vector.shape_cast %swap3A_10 : vector<16xf32> to vector<16xf32>
    %swap3A_12 = vector.shape_cast %broadcast_in_dim3A_8 : vector<16xf32> to vector<16xf32>
    tpu.vector_store %arg9[%swap3A_9], %swap3A_12 {strides = array<i32>} : memref<128xf32, #tpu.memory_space<vmem>>, vector<16xf32>,
    %broadcast_in_dim3A_13 = arith.constant 1.000000e+00 : f32
    %broadcast_in_dim3A_14 = vector.broadcast %broadcast_in_dim3A_13 : f32 to vector<16xf32>
    %swap3A_15 = arith.constant 32 : index
    %swap3A_16 = tpu.vector_load %arg9[%swap3A_15] {strides = array<i32>} : memref<128xf32, #tpu.memory_space<vmem>>, vector<16xf32>,
    %swap3A_17 = vector.shape_cast %swap3A_16 : vector<16xf32> to vector<16xf32>
    %swap3A_18 = vector.shape_cast %broadcast_in_dim3A_14 : vector<16xf32> to vector<16xf32>
    tpu.vector_store %arg9[%swap3A_15], %swap3A_18 {strides = array<i32>} : memref<128xf32, #tpu.memory_space<vmem>>, vector<16xf32>,
    %broadcast_in_dim3A_19 = arith.constant 1.000000e+00 : f32
    %broadcast_in_dim3A_20 = vector.broadcast %broadcast_in_dim3A_19 : f32 to vector<16xf32>
    %swap3A_21 = arith.constant 48 : index
    %swap3A_22 = tpu.vector_load %arg9[%swap3A_21] {strides = array<i32>} : memref<128xf32, #tpu.memory_space<vmem>>, vector<16xf32>,
    %swap3A_23 = vector.shape_cast %swap3A_22 : vector<16xf32> to vector<16xf32>
    %swap3A_24 = vector.shape_cast %broadcast_in_dim3A_20 : vector<16xf32> to vector<16xf32>
    tpu.vector_store %arg9[%swap3A_21], %swap3A_24 {strides = array<i32>} : memref<128xf32, #tpu.memory_space<vmem>>, vector<16xf32>,
    %broadcast_in_dim3A_25 = arith.constant 1.000000e+00 : f32
    %broadcast_in_dim3A_26 = vector.broadcast %broadcast_in_dim3A_25 : f32 to vector<16xf32>
    %swap3A_27 = arith.constant 64 : index
    %swap3A_28 = tpu.vector_load %arg9[%swap3A_27] {strides = array<i32>} : memref<128xf32, #tpu.memory_space<vmem>>, vector<16xf32>,
    %swap3A_29 = vector.shape_cast %swap3A_28 : vector<16xf32> to vector<16xf32>
    %swap3A_30 = vector.shape_cast %broadcast_in_dim3A_26 : vector<16xf32> to vector<16xf32>
    tpu.vector_store %arg9[%swap3A_27], %swap3A_30 {strides = array<i32>} : memref<128xf32, #tpu.memory_space<vmem>>, vector<16xf32>,
    %broadcast_in_dim3A_31 = arith.constant 1.000000e+00 : f32
    %broadcast_in_dim3A_32 = vector.broadcast %broadcast_in_dim3A_31 : f32 to vector<16xf32>
    %swap3A_33 = arith.constant 80 : index
    %swap3A_34 = tpu.vector_load %arg9[%swap3A_33] {strides = array<i32>} : memref<128xf32, #tpu.memory_space<vmem>>, vector<16xf32>,
    %swap3A_35 = vector.shape_cast %swap3A_34 : vector<16xf32> to vector<16xf32>
    %swap3A_36 = vector.shape_cast %broadcast_in_dim3A_32 : vector<16xf32> to vector<16xf32>
    tpu.vector_store %arg9[%swap3A_33], %swap3A_36 {strides = array<i32>} : memref<128xf32, #tpu.memory_space<vmem>>, vector<16xf32>,
    %broadcast_in_dim3A_37 = arith.constant 1.000000e+00 : f32
    %broadcast_in_dim3A_38 = vector.broadcast %broadcast_in_dim3A_37 : f32 to vector<16xf32>
    %swap3A_39 = arith.constant 96 : index
    %swap3A_40 = tpu.vector_load %arg9[%swap3A_39] {strides = array<i32>} : memref<128xf32, #tpu.memory_space<vmem>>, vector<16xf32>,
    %swap3A_41 = vector.shape_cast %swap3A_40 : vector<16xf32> to vector<16xf32>
    %swap3A_42 = vector.shape_cast %broadcast_in_dim3A_38 : vector<16xf32> to vector<16xf32>
    tpu.vector_store %arg9[%swap3A_39], %swap3A_42 {strides = array<i32>} : memref<128xf32, #tpu.memory_space<vmem>>, vector<16xf32>,
    %broadcast_in_dim3A_43 = arith.constant 1.000000e+00 : f32
    %broadcast_in_dim3A_44 = vector.broadcast %broadcast_in_dim3A_43 : f32 to vector<16xf32>
    %swap3A_45 = arith.constant 112 : index
    %swap3A_46 = tpu.vector_load %arg9[%swap3A_45] {strides = array<i32>} : memref<128xf32, #tpu.memory_space<vmem>>, vector<16xf32>,
    %swap3A_47 = vector.shape_cast %swap3A_46 : vector<16xf32> to vector<16xf32>
    %swap3A_48 = vector.shape_cast %broadcast_in_dim3A_44 : vector<16xf32> to vector<16xf32>
    tpu.vector_store %arg9[%swap3A_45], %swap3A_48 {strides = array<i32>} : memref<128xf32, #tpu.memory_space<vmem>>, vector<16xf32>,
    %barrier3A = arith.constant 0 : index
    tpu.barrier barrier_id(%barrier3A)
    %scan3A = arith.constant 0 : i32
    %scan3A_49 = arith.constant 98 : i32
    %scan3A_50 = arith.addi %scan3A, %scan3A_49 : i32
    %scan3A_51 = arith.constant 1 : i32
    scf.for %scan3A_60 = %scan3A to %scan3A_50 step %scan3A_51  : i32 {
      %mul3A_61 = arith.constant 1 : i32
      %mul3A_62 = arith.muli %scan3A_60, %mul3A_61 : i32
      %add3A_63 = arith.constant 0 : i32
      %add3A_64 = arith.addi %add3A_63, %mul3A_62 : i32
      %mul3A_65 = arith.constant 4 : i32
      %mul3A_66 = arith.muli %add3A_64, %mul3A_65 : i32
      %add3A_67 = arith.constant 0 : i32
      %add3A_68 = arith.addi %mul3A_66, %add3A_67 : i32
      %dma_start3A = arith.constant 0 : i32
      %dma_start3A_69 = tpu.memref_slice %arg2[%add3A, %add3A_68, %dma_start3A] : memref<32x392x128xi32, #tpu.memory_space<hbm>> -> memref<1x1x128xi32, #tpu.memory_space<hbm>>
      %dma_start3A_70 = tpu.memref_squeeze %dma_start3A_69 : memref<1x1x128xi32, #tpu.memory_space<hbm>> -> memref<128xi32, #tpu.memory_space<hbm>>
      %dma_start3A_71 = arith.constant 0 : i32
      %dma_start3A_72 = tpu.memref_slice %arg2[%add3A, %add3A_68, %dma_start3A_71] : memref<32x392x128xi32, #tpu.memory_space<hbm>> -> memref<1x1x128xi32, #tpu.memory_space<hbm>>
      %dma_start3A_73 = tpu.memref_squeeze %dma_start3A_72 : memref<1x1x128xi32, #tpu.memory_space<hbm>> -> memref<128xi32, #tpu.memory_space<hbm>>
      tpu.enqueue_dma source(%dma_start3A_73 : memref<128xi32, #tpu.memory_space<hbm>>) target(%arg5 : memref<128xi32, #tpu.memory_space<vmem>>) target_semaphore(%arg12 : memref<!tpu.dma_semaphore, #tpu.memory_space<semaphore_mem>>)
      %mul3A_74 = arith.constant 4 : i32
      %mul3A_75 = arith.muli %add3A_64, %mul3A_74 : i32
      %add3A_76 = arith.constant 1 : i32
      %add3A_77 = arith.addi %mul3A_75, %add3A_76 : i32
      %dma_start3A_78 = arith.constant 0 : i32
      %dma_start3A_79 = tpu.memref_slice %arg2[%add3A, %add3A_77, %dma_start3A_78] : memref<32x392x128xi32, #tpu.memory_space<hbm>> -> memref<1x1x128xi32, #tpu.memory_space<hbm>>
      %dma_start3A_80 = tpu.memref_squeeze %dma_start3A_79 : memref<1x1x128xi32, #tpu.memory_space<hbm>> -> memref<128xi32, #tpu.memory_space<hbm>>
      %dma_start3A_81 = arith.constant 0 : i32
      %dma_start3A_82 = tpu.memref_slice %arg2[%add3A, %add3A_77, %dma_start3A_81] : memref<32x392x128xi32, #tpu.memory_space<hbm>> -> memref<1x1x128xi32, #tpu.memory_space<hbm>>
      %dma_start3A_83 = tpu.memref_squeeze %dma_start3A_82 : memref<1x1x128xi32, #tpu.memory_space<hbm>> -> memref<128xi32, #tpu.memory_space<hbm>>
      tpu.enqueue_dma source(%dma_start3A_83 : memref<128xi32, #tpu.memory_space<hbm>>) target(%arg6 : memref<128xi32, #tpu.memory_space<vmem>>) target_semaphore(%arg13 : memref<!tpu.dma_semaphore, #tpu.memory_space<semaphore_mem>>)
      %mul3A_84 = arith.constant 4 : i32
      %mul3A_85 = arith.muli %add3A_64, %mul3A_84 : i32
      %add3A_86 = arith.constant 2 : i32
      %add3A_87 = arith.addi %mul3A_85, %add3A_86 : i32
      %dma_start3A_88 = arith.constant 0 : i32
      %dma_start3A_89 = tpu.memref_slice %arg2[%add3A, %add3A_87, %dma_start3A_88] : memref<32x392x128xi32, #tpu.memory_space<hbm>> -> memref<1x1x128xi32, #tpu.memory_space<hbm>>
      %dma_start3A_90 = tpu.memref_squeeze %dma_start3A_89 : memref<1x1x128xi32, #tpu.memory_space<hbm>> -> memref<128xi32, #tpu.memory_space<hbm>>
      %dma_start3A_91 = arith.constant 0 : i32
      %dma_start3A_92 = tpu.memref_slice %arg2[%add3A, %add3A_87, %dma_start3A_91] : memref<32x392x128xi32, #tpu.memory_space<hbm>> -> memref<1x1x128xi32, #tpu.memory_space<hbm>>
      %dma_start3A_93 = tpu.memref_squeeze %dma_start3A_92 : memref<1x1x128xi32, #tpu.memory_space<hbm>> -> memref<128xi32, #tpu.memory_space<hbm>>
      tpu.enqueue_dma source(%dma_start3A_93 : memref<128xi32, #tpu.memory_space<hbm>>) target(%arg7 : memref<128xi32, #tpu.memory_space<vmem>>) target_semaphore(%arg14 : memref<!tpu.dma_semaphore, #tpu.memory_space<semaphore_mem>>)
      %mul3A_94 = arith.constant 4 : i32
      %mul3A_95 = arith.muli %add3A_64, %mul3A_94 : i32
      %add3A_96 = arith.constant 3 : i32
      %add3A_97 = arith.addi %mul3A_95, %add3A_96 : i32
      %dma_start3A_98 = arith.constant 0 : i32
      %dma_start3A_99 = tpu.memref_slice %arg2[%add3A, %add3A_97, %dma_start3A_98] : memref<32x392x128xi32, #tpu.memory_space<hbm>> -> memref<1x1x128xi32, #tpu.memory_space<hbm>>
      %dma_start3A_100 = tpu.memref_squeeze %dma_start3A_99 : memref<1x1x128xi32, #tpu.memory_space<hbm>> -> memref<128xi32, #tpu.memory_space<hbm>>
      %dma_start3A_101 = arith.constant 0 : i32
      %dma_start3A_102 = tpu.memref_slice %arg2[%add3A, %add3A_97, %dma_start3A_101] : memref<32x392x128xi32, #tpu.memory_space<hbm>> -> memref<1x1x128xi32, #tpu.memory_space<hbm>>
      %dma_start3A_103 = tpu.memref_squeeze %dma_start3A_102 : memref<1x1x128xi32, #tpu.memory_space<hbm>> -> memref<128xi32, #tpu.memory_space<hbm>>
      tpu.enqueue_dma source(%dma_start3A_103 : memref<128xi32, #tpu.memory_space<hbm>>) target(%arg8 : memref<128xi32, #tpu.memory_space<vmem>>) target_semaphore(%arg15 : memref<!tpu.dma_semaphore, #tpu.memory_space<semaphore_mem>>)
      %dma_wait3A = arith.constant 0 : i32
      %dma_wait3A_104 = tpu.memref_slice %arg2[%add3A, %add3A_68, %dma_wait3A] : memref<32x392x128xi32, #tpu.memory_space<hbm>> -> memref<1x1x128xi32, #tpu.memory_space<hbm>>
      %dma_wait3A_105 = tpu.memref_squeeze %dma_wait3A_104 : memref<1x1x128xi32, #tpu.memory_space<hbm>> -> memref<128xi32, #tpu.memory_space<hbm>>
      %dma_wait3A_106 = arith.constant 0 : i32
      %dma_wait3A_107 = tpu.memref_slice %arg2[%add3A, %add3A_68, %dma_wait3A_106] : memref<32x392x128xi32, #tpu.memory_space<hbm>> -> memref<1x1x128xi32, #tpu.memory_space<hbm>>
      %dma_wait3A_108 = tpu.memref_squeeze %dma_wait3A_107 : memref<1x1x128xi32, #tpu.memory_space<hbm>> -> memref<128xi32, #tpu.memory_space<hbm>>
      tpu.wait_dma2 semaphore(%arg12 : memref<!tpu.dma_semaphore, #tpu.memory_space<semaphore_mem>>) src(%dma_wait3A_108 : memref<128xi32, #tpu.memory_space<hbm>>) dst(%arg5 : memref<128xi32, #tpu.memory_space<vmem>>)
      "tpu.region"() ({
        %run_scoped3A = tpu.sem_alloc : memref<!tpu.dma_semaphore, #tpu.memory_space<semaphore_mem>>
        %dma_start3A_127 = arith.constant 0 : i32
        %dma_start3A_128 = tpu.memref_slice %arg11[%dma_start3A_127] : memref<100096xf32, #tpu.memory_space<vmem_shared>> -> memref<100096xf32, #tpu.memory_space<vmem_shared>>
        tpu.enqueue_indirect_dma source(%arg9 : memref<128xf32, #tpu.memory_space<vmem>>) target(%dma_start3A_128 : memref<100096xf32, #tpu.memory_space<vmem_shared>>) offsets(%arg5 : memref<128xi32, #tpu.memory_space<vmem>>) semaphore(%run_scoped3A : memref<!tpu.dma_semaphore, #tpu.memory_space<semaphore_mem>>) {add = true}
        %dma_wait3A_129 = arith.constant 0 : i32
        %dma_wait3A_130 = tpu.memref_slice %arg11[%dma_wait3A_129] : memref<100096xf32, #tpu.memory_space<vmem_shared>> -> memref<100096xf32, #tpu.memory_space<vmem_shared>>
        tpu.wait_indirect_dma semaphore(%run_scoped3A : memref<!tpu.dma_semaphore, #tpu.memory_space<semaphore_mem>>) src(%arg9 : memref<128xf32, #tpu.memory_space<vmem>>) dst(%dma_wait3A_130 : memref<100096xf32, #tpu.memory_space<vmem_shared>>)
        tpu.yield
      }) : () -> ()
      %dma_wait3A_109 = arith.constant 0 : i32
      %dma_wait3A_110 = tpu.memref_slice %arg2[%add3A, %add3A_77, %dma_wait3A_109] : memref<32x392x128xi32, #tpu.memory_space<hbm>> -> memref<1x1x128xi32, #tpu.memory_space<hbm>>
      %dma_wait3A_111 = tpu.memref_squeeze %dma_wait3A_110 : memref<1x1x128xi32, #tpu.memory_space<hbm>> -> memref<128xi32, #tpu.memory_space<hbm>>
      %dma_wait3A_112 = arith.constant 0 : i32
      %dma_wait3A_113 = tpu.memref_slice %arg2[%add3A, %add3A_77, %dma_wait3A_112] : memref<32x392x128xi32, #tpu.memory_space<hbm>> -> memref<1x1x128xi32, #tpu.memory_space<hbm>>
      %dma_wait3A_114 = tpu.memref_squeeze %dma_wait3A_113 : memref<1x1x128xi32, #tpu.memory_space<hbm>> -> memref<128xi32, #tpu.memory_space<hbm>>
      tpu.wait_dma2 semaphore(%arg13 : memref<!tpu.dma_semaphore, #tpu.memory_space<semaphore_mem>>) src(%dma_wait3A_114 : memref<128xi32, #tpu.memory_space<hbm>>) dst(%arg6 : memref<128xi32, #tpu.memory_space<vmem>>)
      "tpu.region"() ({
        %run_scoped3A = tpu.sem_alloc : memref<!tpu.dma_semaphore, #tpu.memory_space<semaphore_mem>>
        %dma_start3A_127 = arith.constant 0 : i32
        %dma_start3A_128 = tpu.memref_slice %arg11[%dma_start3A_127] : memref<100096xf32, #tpu.memory_space<vmem_shared>> -> memref<100096xf32, #tpu.memory_space<vmem_shared>>
        tpu.enqueue_indirect_dma source(%arg9 : memref<128xf32, #tpu.memory_space<vmem>>) target(%dma_start3A_128 : memref<100096xf32, #tpu.memory_space<vmem_shared>>) offsets(%arg6 : memref<128xi32, #tpu.memory_space<vmem>>) semaphore(%run_scoped3A : memref<!tpu.dma_semaphore, #tpu.memory_space<semaphore_mem>>) {add = true}
        %dma_wait3A_129 = arith.constant 0 : i32
        %dma_wait3A_130 = tpu.memref_slice %arg11[%dma_wait3A_129] : memref<100096xf32, #tpu.memory_space<vmem_shared>> -> memref<100096xf32, #tpu.memory_space<vmem_shared>>
        tpu.wait_indirect_dma semaphore(%run_scoped3A : memref<!tpu.dma_semaphore, #tpu.memory_space<semaphore_mem>>) src(%arg9 : memref<128xf32, #tpu.memory_space<vmem>>) dst(%dma_wait3A_130 : memref<100096xf32, #tpu.memory_space<vmem_shared>>)
        tpu.yield
      }) : () -> ()
      %dma_wait3A_115 = arith.constant 0 : i32
      %dma_wait3A_116 = tpu.memref_slice %arg2[%add3A, %add3A_87, %dma_wait3A_115] : memref<32x392x128xi32, #tpu.memory_space<hbm>> -> memref<1x1x128xi32, #tpu.memory_space<hbm>>
      %dma_wait3A_117 = tpu.memref_squeeze %dma_wait3A_116 : memref<1x1x128xi32, #tpu.memory_space<hbm>> -> memref<128xi32, #tpu.memory_space<hbm>>
      %dma_wait3A_118 = arith.constant 0 : i32
      %dma_wait3A_119 = tpu.memref_slice %arg2[%add3A, %add3A_87, %dma_wait3A_118] : memref<32x392x128xi32, #tpu.memory_space<hbm>> -> memref<1x1x128xi32, #tpu.memory_space<hbm>>
      %dma_wait3A_120 = tpu.memref_squeeze %dma_wait3A_119 : memref<1x1x128xi32, #tpu.memory_space<hbm>> -> memref<128xi32, #tpu.memory_space<hbm>>
      tpu.wait_dma2 semaphore(%arg14 : memref<!tpu.dma_semaphore, #tpu.memory_space<semaphore_mem>>) src(%dma_wait3A_120 : memref<128xi32, #tpu.memory_space<hbm>>) dst(%arg7 : memref<128xi32, #tpu.memory_space<vmem>>)
      "tpu.region"() ({
        %run_scoped3A = tpu.sem_alloc : memref<!tpu.dma_semaphore, #tpu.memory_space<semaphore_mem>>
        %dma_start3A_127 = arith.constant 0 : i32
        %dma_start3A_128 = tpu.memref_slice %arg11[%dma_start3A_127] : memref<100096xf32, #tpu.memory_space<vmem_shared>> -> memref<100096xf32, #tpu.memory_space<vmem_shared>>
        tpu.enqueue_indirect_dma source(%arg9 : memref<128xf32, #tpu.memory_space<vmem>>) target(%dma_start3A_128 : memref<100096xf32, #tpu.memory_space<vmem_shared>>) offsets(%arg7 : memref<128xi32, #tpu.memory_space<vmem>>) semaphore(%run_scoped3A : memref<!tpu.dma_semaphore, #tpu.memory_space<semaphore_mem>>) {add = true}
        %dma_wait3A_129 = arith.constant 0 : i32
        %dma_wait3A_130 = tpu.memref_slice %arg11[%dma_wait3A_129] : memref<100096xf32, #tpu.memory_space<vmem_shared>> -> memref<100096xf32, #tpu.memory_space<vmem_shared>>
        tpu.wait_indirect_dma semaphore(%run_scoped3A : memref<!tpu.dma_semaphore, #tpu.memory_space<semaphore_mem>>) src(%arg9 : memref<128xf32, #tpu.memory_space<vmem>>) dst(%dma_wait3A_130 : memref<100096xf32, #tpu.memory_space<vmem_shared>>)
        tpu.yield
      }) : () -> ()
      %dma_wait3A_121 = arith.constant 0 : i32
      %dma_wait3A_122 = tpu.memref_slice %arg2[%add3A, %add3A_97, %dma_wait3A_121] : memref<32x392x128xi32, #tpu.memory_space<hbm>> -> memref<1x1x128xi32, #tpu.memory_space<hbm>>
      %dma_wait3A_123 = tpu.memref_squeeze %dma_wait3A_122 : memref<1x1x128xi32, #tpu.memory_space<hbm>> -> memref<128xi32, #tpu.memory_space<hbm>>
      %dma_wait3A_124 = arith.constant 0 : i32
      %dma_wait3A_125 = tpu.memref_slice %arg2[%add3A, %add3A_97, %dma_wait3A_124] : memref<32x392x128xi32, #tpu.memory_space<hbm>> -> memref<1x1x128xi32, #tpu.memory_space<hbm>>
      %dma_wait3A_126 = tpu.memref_squeeze %dma_wait3A_125 : memref<1x1x128xi32, #tpu.memory_space<hbm>> -> memref<128xi32, #tpu.memory_space<hbm>>
      tpu.wait_dma2 semaphore(%arg15 : memref<!tpu.dma_semaphore, #tpu.memory_space<semaphore_mem>>) src(%dma_wait3A_126 : memref<128xi32, #tpu.memory_space<hbm>>) dst(%arg8 : memref<128xi32, #tpu.memory_space<vmem>>)
      "tpu.region"() ({
        %run_scoped3A = tpu.sem_alloc : memref<!tpu.dma_semaphore, #tpu.memory_space<semaphore_mem>>
        %dma_start3A_127 = arith.constant 0 : i32
        %dma_start3A_128 = tpu.memref_slice %arg11[%dma_start3A_127] : memref<100096xf32, #tpu.memory_space<vmem_shared>> -> memref<100096xf32, #tpu.memory_space<vmem_shared>>
        tpu.enqueue_indirect_dma source(%arg9 : memref<128xf32, #tpu.memory_space<vmem>>) target(%dma_start3A_128 : memref<100096xf32, #tpu.memory_space<vmem_shared>>) offsets(%arg8 : memref<128xi32, #tpu.memory_space<vmem>>) semaphore(%run_scoped3A : memref<!tpu.dma_semaphore, #tpu.memory_space<semaphore_mem>>) {add = true}
        %dma_wait3A_129 = arith.constant 0 : i32
        %dma_wait3A_130 = tpu.memref_slice %arg11[%dma_wait3A_129] : memref<100096xf32, #tpu.memory_space<vmem_shared>> -> memref<100096xf32, #tpu.memory_space<vmem_shared>>
        tpu.wait_indirect_dma semaphore(%run_scoped3A : memref<!tpu.dma_semaphore, #tpu.memory_space<semaphore_mem>>) src(%arg9 : memref<128xf32, #tpu.memory_space<vmem>>) dst(%dma_wait3A_130 : memref<100096xf32, #tpu.memory_space<vmem_shared>>)
        tpu.yield
      }) : () -> ()
    }
    %scan3A_52 = arith.constant 98 : i32
    %barrier3A_53 = arith.constant 0 : index
    tpu.barrier barrier_id(%barrier3A_53)
    %mul3A_54 = arith.constant 100096 : i32
    %mul3A_55 = arith.muli %arg0, %mul3A_54 : i32
    %mul3A_56 = arith.constant 6256 : i32
    %mul3A_57 = arith.muli %arg1, %mul3A_56 : i32
    %add3A_58 = arith.addi %mul3A_55, %mul3A_57 : i32
    %multiple_of3A_59 = tpu.assume_multiple %add3A_58, 8 : i32
    "tpu.region"() ({
      %run_scoped3A = tpu.sem_alloc : memref<!tpu.dma_semaphore, #tpu.memory_space<semaphore_mem>>
      %dma_start3A = tpu.memref_slice %arg11[%multiple_of3A] : memref<100096xf32, #tpu.memory_space<vmem_shared>> -> memref<6256xf32, #tpu.memory_space<vmem_shared>>
      %dma_start3A_60 = tpu.memref_slice %arg11[%multiple_of3A] : memref<100096xf32, #tpu.memory_space<vmem_shared>> -> memref<6256xf32, #tpu.memory_space<vmem_shared>>
      tpu.enqueue_dma source(%dma_start3A_60 : memref<6256xf32, #tpu.memory_space<vmem_shared>>) target(%arg10 : memref<6256xf32, #tpu.memory_space<vmem>>) target_semaphore(%run_scoped3A : memref<!tpu.dma_semaphore, #tpu.memory_space<semaphore_mem>>)
      %dma_wait3A = tpu.memref_slice %arg11[%multiple_of3A] : memref<100096xf32, #tpu.memory_space<vmem_shared>> -> memref<6256xf32, #tpu.memory_space<vmem_shared>>
      %dma_wait3A_61 = tpu.memref_slice %arg11[%multiple_of3A] : memref<100096xf32, #tpu.memory_space<vmem_shared>> -> memref<6256xf32, #tpu.memory_space<vmem_shared>>
      tpu.wait_dma2 semaphore(%run_scoped3A : memref<!tpu.dma_semaphore, #tpu.memory_space<semaphore_mem>>) src(%dma_wait3A_61 : memref<6256xf32, #tpu.memory_space<vmem_shared>>) dst(%arg10 : memref<6256xf32, #tpu.memory_space<vmem>>)
      tpu.yield
    }) : () -> ()
    "tpu.region"() ({
      %run_scoped3A = tpu.sem_alloc : memref<!tpu.dma_semaphore, #tpu.memory_space<semaphore_mem>>
      %dma_start3A = tpu.memref_slice %arg4[%multiple_of3A_59] : memref<200192xf32, #tpu.memory_space<hbm>> -> memref<6256xf32, #tpu.memory_space<hbm>>
      %dma_start3A_60 = tpu.memref_slice %arg4[%multiple_of3A_59] : memref<200192xf32, #tpu.memory_space<hbm>> -> memref<6256xf32, #tpu.memory_space<hbm>>
      tpu.enqueue_dma source(%arg10 : memref<6256xf32, #tpu.memory_space<vmem>>) target(%dma_start3A_60 : memref<6256xf32, #tpu.memory_space<hbm>>) target_semaphore(%run_scoped3A : memref<!tpu.dma_semaphore, #tpu.memory_space<semaphore_mem>>)
      %dma_wait3A = tpu.memref_slice %arg4[%multiple_of3A_59] : memref<200192xf32, #tpu.memory_space<hbm>> -> memref<6256xf32, #tpu.memory_space<hbm>>
      %dma_wait3A_61 = tpu.memref_slice %arg4[%multiple_of3A_59] : memref<200192xf32, #tpu.memory_space<hbm>> -> memref<6256xf32, #tpu.memory_space<hbm>>
      tpu.wait_dma2 semaphore(%run_scoped3A : memref<!tpu.dma_semaphore, #tpu.memory_space<semaphore_mem>>) src(%arg10 : memref<6256xf32, #tpu.memory_space<vmem>>) dst(%dma_wait3A_61 : memref<6256xf32, #tpu.memory_space<hbm>>)
      tpu.yield
    }) : () -> ()
    return
  }
}

</mosaic_0001>

<sc_bundles>
// kernel: _sc_degree.3.cloned.1.call-start
scs
__scs_entry_jumppad:
0x0: {  	(pc) =	sbr.rel $0x88, $3  }
0x1: {  	(tag) =	ssettag $0x0;
	lr =	simm.s32 $0x1  }
0x2: {  	[smem:$0x3F9F] =	sst lr;
	_ =	strace $0xD0000000  }
0x3: {  	_ = 	snop  }
0x4: {  	_ = 	snop  }
0x5: {  	_ = 	snop  }
0x6: {  	_ = 	snop  }
0x7: {  	_ = 	snop  }
__scs_overlays_trampoline_lowered:
0x8: {  	[smem:$0x3FAE] =	sst s0  }
0x9: {  	[smem:$0x3FAF] =	sst s1  }
0xa: {  	[smem:$0x3FB0] =	sst s2  }
0xb: {  	[smem:$0x3FB1] =	sst s3  }
0xc: {  	[smem:$0x3FB2] =	sst s4  }
0xd: {  	[smem:$0x3FB3] =	sst s5  }
0xe: {  	[smem:$0x3FB4] =	sst s6  }
0xf: {  	[smem:$0x3FB5] =	sst s7  }
0x10: {  	[smem:$0x3FB6] =	sst s8  }
0x11: {  	[smem:$0x3FB7] =	sst s9;
	s0 =	simm.s32 @!p0 $0x0  }
0x12: {  	s1 =	sld [smem:$0x3F9D];
	s0 =	simm.s32 @p0 $0x1  }
0x13: {  	[smem:$0x3FB8] =	sst s0;
	s0 =	simm.s32 @!p1 $0x0  }
0x14: {  	s2 =	sld [smem:$0x3F9C];
	s0 =	simm.s32 @p1 $0x1  }
0x15: {  	[smem:$0x3FB9] =	sst s0;
	s0 =	simm.s32 @!p2 $0x0  }
0x16: {  	s3 =	sld [smem:$0x3FDB];
	s0 =	simm.s32 @p2 $0x1  }
0x17: {  	s4 =	simm.s32 $0x1BF5;
	[smem:$0x3FBB] =	sst s0  }
0x18: {  	s0 =	sld [smem:$0x3F9E];
	_ =	swait.ge [sflag:s4], $0x0  }
0x19: {  	s7 =	sld [smem:$0x3F9F]  }
0x1a: {  	s8 =	sadd.s32 $0xFFFFE003, lr  }
0x1b: {  	s9 =	sadd.s32 $0xFFFFFEF7, lr;
	s5 =	simm.s32 $0xFFFFFFFF;
	p2 =	slt.u32 s8, $0xFFFFF086  }
0x1c: {  	p1 =	slt.u32 s9, $0xF7A;
	s5 =	simm.s32 @!p2 $0x0  }
0x1d: {  	s5 =	simm.s32 @p1 $0x1;
	p0 =	seq.s32 s7, s2  }
0x1e: {  	s7 =	smul.u32 @!p0 $0xF7A, s2;
	p2 =	seq.s32 @!p0 s5, $0x0  }
0x1f: {  	s9 =	smul.u32 $0xF7A, s1;
	s8 =	simm.s32 @!p0 $0x1BF5;
	p2 =	por !p2, p0  }
0x20: {  	[sflag:s8] =	ssyncset.s32 @!p0 $0xFFFFF086;
	s6 =	sadd.s32 @!p0 s3, s7;
	s7 =	simm.s32 @!p0 $0x108  }
0x21: {  	s3 =	sadd.s32 s3, s9;
	s6 =	sadd.s32 @!p0 $0x88, s6;
	s7 =	simm.s32 @p2 $0x1082  }
0x22: {  	[simem:s7], [sflag:s8] =	dma.local @!p0 [hbm:s6], $0xF7A  }
0x23: {  	s9 =	sor.u32 $0xD0000000, s2;
	s6 =	simm.s32 $0x108;
	_ =	swait.ge @!p0 [sflag:s8], $0x0  }
0x24: {  	s3 =	sadd.s32 $0x88, s3;
	s6 =	simm.s32 @!p1 $0x1082;
	[sflag:s4] =	ssyncset.s32 $0xFFFFF086  }
0x25: {  	[simem:s6], [sflag:s4] =	dma.local [hbm:s3], $0xF7A  }
0x26: {  	[smem:$0x3F9F] =	sst s1;
	(tag) =	ssettag s2;
	_ =	strace s9  }
0x27: {  	s1 =	sld [smem:$0x3FAF]  }
0x28: {  	s2 =	sld [smem:$0x3FB0]  }
0x29: {  	s4 =	sld [smem:$0x3FB2]  }
0x2a: {  	p0 =	seq.s32 s5, $0x0;
	s5 =	sld [smem:$0x3FB3]  }
0x2b: {  	s6 =	sld [smem:$0x3FB4]  }
0x2c: {  	s7 =	sld [smem:$0x3FB5]  }
0x2d: {  	s3 =	simm.s32 $0x108;
	s8 =	sld [smem:$0x3FB6]  }
0x2e: {  	s3 =	simm.s32 @!p0 $0x1082;
	s9 =	sld [smem:$0x3FB7]  }
0x2f: {  	lr =	sadd.s32 s0, s3;
	s0 =	sld [smem:$0x3FAE]  }
0x30: {  	s3 =	sld [smem:$0x3FB1]  }
0x31: {  	[smem:$0x3FBA] =	sst s10  }
0x32: {  	s10 =	sld [smem:$0x3FB8];
	_ =	sdelay $0x3  }
0x33: {  	p0 =	seq.s32 s10, $0x1;
	s10 =	sld [smem:$0x3FBA];
	_ =	sdelay $0x3  }
0x34: {  	[smem:$0x3FBA] =	sst s10  }
0x35: {  	s10 =	sld [smem:$0x3FB9];
	_ =	sdelay $0x3  }
0x36: {  	p1 =	seq.s32 s10, $0x1;
	s10 =	sld [smem:$0x3FBA];
	_ =	sdelay $0x3  }
0x37: {  	[smem:$0x3FBA] =	sst s10  }
0x38: {  	s10 =	sld [smem:$0x3FBB]  }
0x39: {  	_ = 	snop;
	(pc) =	sbr.ind lr, $3  }
0x3a: {  	_ = 	snop  }
0x3b: {  	_ = 	snop  }
0x3c: {  	p2 =	seq.s32 s10, $0x1;
	s10 =	sld [smem:$0x3FBA]  }
0x3d: {  	_ =	shalt  }
0x3e: {  	_ =	shalt  }
0x3f: {  	_ =	shalt  }
0x40: {  	_ =	shalt  }
0x41: {  	_ =	shalt  }
0x42: {  	_ =	shalt  }
0x43: {  	_ =	shalt  }
0x44: {  	_ =	shalt  }
0x45: {  	_ =	shalt  }
0x46: {  	_ =	shalt  }
0x47: {  	_ =	shalt  }
0x48: {  	_ =	shalt  }
0x49: {  	_ =	shalt  }
0x4a: {  	_ =	shalt  }
0x4b: {  	_ =	shalt  }
0x4c: {  	_ =	shalt  }
0x4d: {  	_ =	shalt  }
0x4e: {  	_ =	shalt  }
0x4f: {  	_ =	shalt  }
0x50: {  	_ =	shalt  }
0x51: {  	_ =	shalt  }
0x52: {  	_ =	shalt  }
0x53: {  	_ =	shalt  }
0x54: {  	_ =	shalt  }
0x55: {  	_ =	shalt  }
0x56: {  	_ =	shalt  }
0x57: {  	_ =	shalt  }
0x58: {  	_ =	shalt  }
0x59: {  	_ =	shalt  }
0x5a: {  	_ =	shalt  }
0x5b: {  	_ =	shalt  }
0x5c: {  	_ =	shalt  }
0x5d: {  	_ =	shalt  }
0x5e: {  	_ =	shalt  }
0x5f: {  	_ =	shalt  }
0x60: {  	_ =	shalt  }
0x61: {  	_ =	shalt  }
0x62: {  	_ =	shalt  }
0x63: {  	_ =	shalt  }
0x64: {  	_ =	shalt  }
0x65: {  	_ =	shalt  }
0x66: {  	_ =	shalt  }
0x67: {  	_ =	shalt  }
0x68: {  	_ =	shalt  }
0x69: {  	_ =	shalt  }
0x6a: {  	_ =	shalt  }
0x6b: {  	_ =	shalt  }
0x6c: {  	_ =	shalt  }
0x6d: {  	_ =	shalt  }
0x6e: {  	_ =	shalt  }
0x6f: {  	_ =	shalt  }
0x70: {  	_ =	shalt  }
0x71: {  	_ =	shalt  }
0x72: {  	_ =	shalt  }
0x73: {  	_ =	shalt  }
0x74: {  	_ =	shalt  }
0x75: {  	_ =	shalt  }
0x76: {  	_ =	shalt  }
0x77: {  	_ =	shalt  }
0x78: {  	_ =	shalt  }
0x79: {  	_ =	shalt  }
0x7a: {  	_ =	shalt  }
0x7b: {  	_ =	shalt  }
0x7c: {  	_ =	shalt  }
0x7d: {  	_ =	shalt  }
0x7e: {  	_ =	shalt  }
0x7f: {  	_ =	shalt  }
0x80: {  	_ =	shalt  }
0x81: {  	_ =	shalt  }
0x82: {  	_ =	shalt  }
0x83: {  	_ =	shalt  }
0x84: {  	_ =	shalt  }
0x85: {  	_ =	shalt  }
0x86: {  	_ =	shalt  }
0x87: {  	_ =	shalt  }
.Lfunc_end0:
.L_simem_size_0:
called_computation_lowered:
.L_overlay_start_0:
0x88: {  	s2 =	sld [smem:$0x3FD9]  }
0x89: {  	s3 =	sld [smem:$0x3FFE];
	_ =	sdelay $0x1  }
0x8a: {  	s1 =	srdreg.scid  }
0x8b: {  	s0 =	sand.u32 $0x1, s1  }
0x8c: {  	s18 =	sshll.u32 s0, $0xA;
	s2 =	sadd.s32 s3, s2  }
0x8d: {  	s2 =	sadd.s32 s2, s18  }
0x8e: {  	[smem:$0x3FC6] =	sst s2  }
0x8f: {  	_ = 	snop  }
0x90: {  	s2 =	sld [smem:$0x3FC9]  }
0x91: {  	s19 =	sld [smem:$0x3FC8]  }
0x92: {  	s4 =	sld [smem:$0x3FD0];
	(tm) =	ssettm $0x1  }
0x93: {  	s5 =	sld [smem:$0x3FFB];
	_ =	sdelay $0x3  }
0x94: {  	_ =	strace s5  }
0x95: {  	s5 =	sld [smem:$0x3FFC];
	_ =	sdelay $0x3  }
0x96: {  	_ =	strace s5  }
0x97: {  	s5 =	sld [smem:$0x3FFD];
	_ =	sdelay $0x3  }
0x98: {  	_ =	strace s5  }
0x99: {  	_ =	strace $0x8FFFFFFF  }
0x9a: {  	s20 =	sld [smem:$0x3FDB];
	_ =	sdelay $0x1  }
0x9b: {  	s6 =	simm.s32 $_scs_section_size  }
0x9c: {  	s7 =	simm.s32 $_size__tile_overlayer_lowered;
	s8 =	simm.s32 $_tile_overlayer_lowered  }
0x9d: {  	s23 =	simm.s32 $0x1BFF;
	s22 =	sshll.u32 s8, $0x1;
	s5 =	sadd.s32 s6, s20  }
0x9e: {  	s9 =	simm.s32 $0x0;
	s21 =	sshll.u32 s7, $0x1;
	s7 =	sadd.s32 s22, s5  }
0x9f: {  	[timem:s9], [sflag:s23] =	dma.local [hbm:s7], s21  }
0xa0: {  	_ =	swait.ge [sflag:s23], s21  }
0xa1: {  	s6 =	ssub.s32 $0x0, s21;
	[sflag:s23] =	ssyncset.done $0x0  }
0xa2: {  	[sflag:s23] =	ssyncadd.s32 s6;
	_ =	sdelay $0x1  }
0xa3: {  	s24 =	simm.s32 $0x1B8B  }
0xa4: {  	_ =	swait.ge [sflag:s24], $0x1  }
0xa5: {  	[sflag:s24] =	ssyncset.done $0x0  }
0xa6: {  	s25 =	simm.s32 $0x1B8E;
	[sflag:s24] =	ssyncadd.s32 $0xFFFFFFFF  }
0xa7: {  	s26 =	simm.s32 $execute0_lowered;
	[smem:$0x3FD2] =	sst s25  }
0xa8: {  	s6 =	sshll.u32 s26, $0x1;
	_ =	strace $0x80000046;
	[dreg:$0x1] =	wrdreg $0xFFFFFFFF  }
0xa9: {  	s28 =	simm.s32 $_size_execute0_lowered;
	s5 =	sadd.s32 s5, s6;
	[dreg:$0x0] =	wrdreg $0x0  }
0xaa: {  	s6 =	sshll.u32 s28, $0x1;
	[dreg:$0x2] =	wrdreg s5  }
0xab: {  	[dreg:$0x3] =	wrdreg s6  }
0xac: {  	[dreg:$0x4] =	wrdreg $0xC0  }
0xad: {  	_ =	task [dreg:s9], $0x5FFFF  }
0xae: {  	[dreg:$0x1] =	wrdreg $0xFFFFFFFF  }
0xaf: {  	[dreg:$0x0] =	wrdreg $0x60  }
0xb0: {  	[dreg:$0x2] =	wrdreg s2  }
0xb1: {  	[dreg:$0x3] =	wrdreg s19  }
0xb2: {  	[dreg:$0x4] =	wrdreg s4  }
0xb3: {  	[dreg:$0x5] =	wrdreg $0x1AF00  }
0xb4: {  	[dreg:$0x6] =	wrdreg $0x9  }
0xb5: {  	_ =	task.clear_ibuf [dreg:s9], $0x7FFFF;
	_ =	strace $0x90000046  }
0xb6: {  	s29 =	simm.s32 $0x9;
	_ =	strace $0x80000048  }
0xb7: {  	_ =	swait.ge [sflag:s29], $0x1  }
0xb8: {  	[sflag:s29] =	ssyncadd.s32 $0xFFFFFFFF  }
0xb9: {  	_ =	strace $0x90000048  }
0xba: {  	_ =	sfence  }
0xbb: {  	s30 =	sld [smem:$0x0];
	_ =	sdelay $0x2  }
0xbc: {  	s31 =	sshll.u32 s1, $0xD;
	s1 =	sshrl.u32 s1, $0x2  }
0xbd: {  	s3 =	sand.u32 $0x4000, s31;
	s1 =	sadd.s32 s1, s30  }
0xbe: {  	s0 =	sor.u32 s3, s0;
	s1 =	sshll.u32 s1, $0x11  }
0xbf: {  	s0 =	sor.u32 s1, s0  }
0xc0: {  	s0 =	sadd.s32 $0x8F2B, s0  }
0xc1: {  	[sflag:s0] =	ssyncadd.remote.s32 $0x1  }
0xc2: {  	_ =	sfence.sel $0xFFFF  }
0xc3: {  	[dreg:$0x0] =	wrdreg $0xFFFFFFFF;
	(pc) =	sbr.abs _section_cstart, $3  }
0xc4: {  	[dreg:$0x1] =	wrdreg $0xFFFFFFFF  }
0xc5: {  	_ =	task.clear_ibuf [dreg:s9], $0x2FFFF;
	_ =	strace $0x9FFFFFFF  }
0xc6: {  	(tm) =	ssettm $0x7FFFFFFF  }
0xc7: {  	_ =	shalt  }
tec
execute0_lowered:
.L_overlay_start_1:
0x0: {  	(tag) =	ssettag $0x1  }
0x1: {  	s11 =	rddreg [dreg:$0x0]  }
0x2: {  	s1 =	rddreg [dreg:$0x1]  }
0x3: {  	s6 =	rddreg [dreg:$0x2];
	s2 =	srdreg.scid  }
0x4: {  	s0 =	stileid.u32;
	s3 =	rddreg [dreg:$0x3];
	s4 =	simm.s32 $0x0  }
0x5: {  	s13 =	simm.s32 $0x5;
	s14 =	simm.s32 $0x80;
	s15 =	simm.s32 $0x100  }
0x6: {  	s16 =	simm.s32 $0x180;
	s17 =	simm.s32 $0x1;
	s18 =	simm.s32 $0x200  }
0x7: {  	s19 =	simm.s32 $0x2;
	s20 =	simm.s32 $0x3;
	s7 =	smul.u32 $0x1870, s0  }
0x8: {  	s21 =	simm.s32 $0x4;
	s5 =	sand.u32 $0x1, s2;
	s12 =	smul.u32 $0xC400, s0  }
0x9: {  	s22 =	simm.s32 $0x0;
	s2 =	rddreg [dreg:$0x4];
	s8 =	smul.u32 $0x18700, s5  }
0xa: {  	[smem:$0x7FF] =	sst s4;
	s9 =	ssub.s32 $0x2, s5;
	s10 =	smul.u32 $0xC4000, s5  }
0xb: {  	_ =	strace $0x80000047;
	s28 =	sshrl.u32 s9, $0x1;
	s5 =	sadd.s32 s7, s3  }
0xc: {  	s9 =	ssub.s32 s9, s28;
	s8 =	sadd.s32 s7, s8;
	s12 =	sadd.s32 s12, s10  }
0xd: {  	s29 =	sshrl.u32 s8, $0x3;
	s7 =	smax.u32 s9, $0x1;
	s30 =	sor.u32 $0x180, s12  }
0xe: {  	s31 =	sor.u32 $0x100, s12;
	s10 =	sor.u32 $0x80, s12;
	s12 =	sshrl.u32 s12, $0x3  }
0xf: {  	s6 =	sadd.s32 s6, s29;
	s8 =	sshrl.u32 s30, $0x3;
	s9 =	sshrl.u32 s31, $0x3  }
0x10: {  	s10 =	sshrl.u32 s10, $0x3;
	s8 =	sadd.s32 s8, s11;
	s9 =	sadd.s32 s9, s11  }
0x11: {  	v0 =	vimm.f32 $1.000000000e+00;
	s10 =	sadd.s32 s10, s11;
	s11 =	sadd.s32 s12, s11;
	s12 =	simm.s32 $0x280  }
.LBB2_1:
0x12: {  	[tilespmem:s12], [sflag:$0x5] =	stream.linear.gather [hbm4b:s1+s4], $0x1870, $0x38;
	[tilespmem:$0x3360] =	vst v63  }
0x13: {  	_ =	swait.ge [sflag:s13], $0x1870  }
0x14: {  	[sflag:s13] =	ssyncset.done $0x0  }
0x15: {  	[sflag:s13] =	ssyncadd.s32 $0xFFFFE790  }
0x16: {  	[spmem:s5] =	stream.linear.scatter [tilespmem:s12], [sflag:$0x5], $0x1870, $0x38;
	[tilespmem:$0x3360] =	vst v63  }
0x17: {  	_ =	swait.ge [sflag:s13], $0x1870  }
0x18: {  	[sflag:s13] =	ssyncset.done $0x0  }
0x19: {  	[sflag:s13] =	ssyncadd.s32 $0xFFFFE790  }
0x1a: {  	[tilespmem:$0x200] =	vst v0  }
0x1b: {  	[tilespmem:$0x210] =	vst v0  }
0x1c: {  	[tilespmem:$0x220] =	vst v0  }
0x1d: {  	[tilespmem:$0x230] =	vst v0  }
0x1e: {  	[tilespmem:$0x240] =	vst v0  }
0x1f: {  	[tilespmem:$0x250] =	vst v0  }
0x20: {  	[tilespmem:$0x260] =	vst v0  }
0x21: {  	[tilespmem:$0x270] =	vst v0  }
0x22: {  	s23 =	sadd.s32 $0x0, s11;
	[bflag:$0x0] =	sbarrier.arrive $0xFFFF  }
0x23: {  	[tilespmem:s4], [sflag:$0x1] =	stream.linear.gather [hbm4b:s23+s4], $0x80, $0x38;
	[tilespmem:$0x3360] =	vst v63  }
0x24: {  	s29 =	sadd.s32 $0x0, s10  }
0x25: {  	[tilespmem:s14], [sflag:$0x2] =	stream.linear.gather [hbm4b:s29+s4], $0x80, $0x38;
	[tilespmem:$0x3360] =	vst v63  }
0x26: {  	s30 =	sadd.s32 $0x0, s9  }
0x27: {  	[tilespmem:s15], [sflag:$0x3] =	stream.linear.gather [hbm4b:s30+s4], $0x80, $0x38;
	[tilespmem:$0x3360] =	vst v63  }
0x28: {  	s31 =	sadd.s32 $0x0, s8  }
0x29: {  	[tilespmem:s16], [sflag:$0x4] =	stream.linear.gather [hbm4b:s31+s4], $0x80, $0x38;
	[tilespmem:$0x3360] =	vst v63  }
0x2a: {  	_ =	swait.ge [sflag:s17], $0x80  }
0x2b: {  	[sflag:s17] =	ssyncset.done $0x0  }
0x2c: {  	[sflag:s17] =	ssyncadd.s32 $0xFFFFFF80  }
0x2d: {  	[spmem:s3] =	stream.indirect.scatter.add.f32 [tilespmem:s18], [sflag:$0x5], $0x1, s4, s14, $0xb8;
	[tilespmem:$0x3360] =	vst v63  }
0x2e: {  	_ =	swait.ge [sflag:s13], $0x80  }
0x2f: {  	[sflag:s13] =	ssyncset.done $0x0  }
0x30: {  	[sflag:s13] =	ssyncadd.s32 $0xFFFFFF80  }
0x31: {  	_ =	swait.ge [sflag:s19], $0x80  }
0x32: {  	[sflag:s19] =	ssyncset.done $0x0  }
0x33: {  	[sflag:s19] =	ssyncadd.s32 $0xFFFFFF80  }
0x34: {  	[spmem:s3] =	stream.indirect.scatter.add.f32 [tilespmem:s18], [sflag:$0x5], $0x1, s14, s14, $0xb8;
	[tilespmem:$0x3360] =	vst v63  }
0x35: {  	_ =	swait.ge [sflag:s13], $0x80  }
0x36: {  	[sflag:s13] =	ssyncset.done $0x0  }
0x37: {  	[sflag:s13] =	ssyncadd.s32 $0xFFFFFF80  }
0x38: {  	_ =	swait.ge [sflag:s20], $0x80  }
0x39: {  	[sflag:s20] =	ssyncset.done $0x0  }
0x3a: {  	[sflag:s20] =	ssyncadd.s32 $0xFFFFFF80  }
0x3b: {  	[spmem:s3] =	stream.indirect.scatter.add.f32 [tilespmem:s18], [sflag:$0x5], $0x1, s15, s14, $0xb8;
	[tilespmem:$0x3360] =	vst v63  }
0x3c: {  	_ =	swait.ge [sflag:s13], $0x80  }
0x3d: {  	[sflag:s13] =	ssyncset.done $0x0  }
0x3e: {  	[sflag:s13] =	ssyncadd.s32 $0xFFFFFF80  }
0x3f: {  	_ =	swait.ge [sflag:s21], $0x80  }
0x40: {  	[sflag:s21] =	ssyncset.done $0x0  }
0x41: {  	[sflag:s21] =	ssyncadd.s32 $0xFFFFFF80  }
0x42: {  	[spmem:s3] =	stream.indirect.scatter.add.f32 [tilespmem:s18], [sflag:$0x5], $0x1, s16, s14, $0xb8;
	[tilespmem:$0x3360] =	vst v63  }
0x43: {  	_ =	swait.ge [sflag:s13], $0x80  }
0x44: {  	s25 =	simm.s32 $0x80;
	s23 =	simm.s32 $0x40;
	[sflag:s13] =	ssyncset.done $0x0  }
.LBB2_2:
0x45: {  	s26 =	sadd.s32 s23, s11  }
0x46: {  	[sflag:s13] =	ssyncadd.s32 $0xFFFFFF80;
	s28 =	smov.u32 s25;
	s24 =	sadd.s32 $0x40, s25  }
0x47: {  	[tilespmem:s4], [sflag:$0x1] =	stream.linear.gather [hbm4b:s26+s4], $0x80, $0x38;
	[tilespmem:$0x3360] =	vst v63  }
0x48: {  	p0 =	sne.s32 s25, $0x1840;
	s25 =	sadd.s32 s23, s10  }
0x49: {  	[tilespmem:s14], [sflag:$0x2] =	stream.linear.gather [hbm4b:s25+s4], $0x80, $0x38;
	[tilespmem:$0x3360] =	vst v63  }
0x4a: {  	s25 =	sadd.s32 s23, s9  }
0x4b: {  	[tilespmem:s15], [sflag:$0x3] =	stream.linear.gather [hbm4b:s25+s4], $0x80, $0x38;
	[tilespmem:$0x3360] =	vst v63  }
0x4c: {  	s25 =	sadd.s32 s23, s8;
	s23 =	smov.u32 s28  }
0x4d: {  	[tilespmem:s16], [sflag:$0x4] =	stream.linear.gather [hbm4b:s25+s4], $0x80, $0x38;
	[tilespmem:$0x3360] =	vst v63  }
0x4e: {  	_ =	swait.ge [sflag:s17], $0x80  }
0x4f: {  	[sflag:s17] =	ssyncset.done $0x0  }
0x50: {  	[sflag:s17] =	ssyncadd.s32 $0xFFFFFF80  }
0x51: {  	[spmem:s3] =	stream.indirect.scatter.add.f32 [tilespmem:s18], [sflag:$0x5], $0x1, s4, s14, $0xb8;
	[tilespmem:$0x3360] =	vst v63  }
0x52: {  	_ =	swait.ge [sflag:s13], $0x80  }
0x53: {  	[sflag:s13] =	ssyncset.done $0x0  }
0x54: {  	[sflag:s13] =	ssyncadd.s32 $0xFFFFFF80  }
0x55: {  	_ =	swait.ge [sflag:s19], $0x80  }
0x56: {  	[sflag:s19] =	ssyncset.done $0x0  }
0x57: {  	[sflag:s19] =	ssyncadd.s32 $0xFFFFFF80  }
0x58: {  	[spmem:s3] =	stream.indirect.scatter.add.f32 [tilespmem:s18], [sflag:$0x5], $0x1, s14, s14, $0xb8;
	[tilespmem:$0x3360] =	vst v63  }
0x59: {  	_ =	swait.ge [sflag:s13], $0x80  }
0x5a: {  	[sflag:s13] =	ssyncset.done $0x0  }
0x5b: {  	[sflag:s13] =	ssyncadd.s32 $0xFFFFFF80  }
0x5c: {  	_ =	swait.ge [sflag:s20], $0x80  }
0x5d: {  	[sflag:s20] =	ssyncset.done $0x0  }
0x5e: {  	[sflag:s20] =	ssyncadd.s32 $0xFFFFFF80  }
0x5f: {  	[spmem:s3] =	stream.indirect.scatter.add.f32 [tilespmem:s18], [sflag:$0x5], $0x1, s15, s14, $0xb8;
	[tilespmem:$0x3360] =	vst v63  }
0x60: {  	_ =	swait.ge [sflag:s13], $0x80  }
0x61: {  	[sflag:s13] =	ssyncset.done $0x0  }
0x62: {  	[sflag:s13] =	ssyncadd.s32 $0xFFFFFF80  }
0x63: {  	_ =	swait.ge [sflag:s21], $0x80  }
.Ltmp0:
0x64: {  	[sflag:s21] =	ssyncset.done $0x0;
	(pc) =	sbr.rel @p0 .LBB2_2-.Ltmp0, $4  }
0x65: {  	[sflag:s21] =	ssyncadd.s32 $0xFFFFFF80  }
0x66: {  	[spmem:s3] =	stream.indirect.scatter.add.f32 [tilespmem:s18], [sflag:$0x5], $0x1, s16, s14, $0xb8;
	[tilespmem:$0x3360] =	vst v63  }
0x67: {  	_ =	swait.ge [sflag:s13], $0x80  }
0x68: {  	s25 =	smov.u32 s24;
	[sflag:s13] =	ssyncset.done $0x0  }
0x69: {  	s24 =	sadd.s32 s23, s11;
	[sflag:s13] =	ssyncadd.s32 $0xFFFFFF80  }
0x6a: {  	[tilespmem:s4], [sflag:$0x1] =	stream.linear.gather [hbm4b:s24+s4], $0x80, $0x38;
	[tilespmem:$0x3360] =	vst v63  }
0x6b: {  	s29 =	sadd.s32 s23, s10  }
0x6c: {  	[tilespmem:s14], [sflag:$0x2] =	stream.linear.gather [hbm4b:s29+s4], $0x80, $0x38;
	[tilespmem:$0x3360] =	vst v63  }
0x6d: {  	s30 =	sadd.s32 s23, s9  }
0x6e: {  	[tilespmem:s15], [sflag:$0x3] =	stream.linear.gather [hbm4b:s30+s4], $0x80, $0x38;
	[tilespmem:$0x3360] =	vst v63  }
0x6f: {  	s31 =	sadd.s32 s23, s8  }
0x70: {  	[tilespmem:s16], [sflag:$0x4] =	stream.linear.gather [hbm4b:s31+s4], $0x80, $0x38;
	[tilespmem:$0x3360] =	vst v63  }
0x71: {  	_ =	swait.ge [sflag:s17], $0x80  }
0x72: {  	[sflag:s17] =	ssyncset.done $0x0  }
0x73: {  	[sflag:s17] =	ssyncadd.s32 $0xFFFFFF80  }
0x74: {  	[spmem:s3] =	stream.indirect.scatter.add.f32 [tilespmem:s18], [sflag:$0x5], $0x1, s4, s14, $0xb8;
	[tilespmem:$0x3360] =	vst v63  }
0x75: {  	_ =	swait.ge [sflag:s13], $0x80  }
0x76: {  	[sflag:s13] =	ssyncset.done $0x0  }
0x77: {  	[sflag:s13] =	ssyncadd.s32 $0xFFFFFF80  }
0x78: {  	_ =	swait.ge [sflag:s19], $0x80  }
0x79: {  	[sflag:s19] =	ssyncset.done $0x0  }
0x7a: {  	[sflag:s19] =	ssyncadd.s32 $0xFFFFFF80  }
0x7b: {  	[spmem:s3] =	stream.indirect.scatter.add.f32 [tilespmem:s18], [sflag:$0x5], $0x1, s14, s14, $0xb8;
	[tilespmem:$0x3360] =	vst v63  }
0x7c: {  	_ =	swait.ge [sflag:s13], $0x80  }
0x7d: {  	[sflag:s13] =	ssyncset.done $0x0  }
0x7e: {  	[sflag:s13] =	ssyncadd.s32 $0xFFFFFF80  }
0x7f: {  	_ =	swait.ge [sflag:s20], $0x80  }
0x80: {  	[sflag:s20] =	ssyncset.done $0x0  }
0x81: {  	[sflag:s20] =	ssyncadd.s32 $0xFFFFFF80  }
0x82: {  	[spmem:s3] =	stream.indirect.scatter.add.f32 [tilespmem:s18], [sflag:$0x5], $0x1, s15, s14, $0xb8;
	[tilespmem:$0x3360] =	vst v63  }
0x83: {  	_ =	swait.ge [sflag:s13], $0x80  }
0x84: {  	[sflag:s13] =	ssyncset.done $0x0  }
0x85: {  	[sflag:s13] =	ssyncadd.s32 $0xFFFFFF80  }
0x86: {  	_ =	swait.ge [sflag:s21], $0x80  }
0x87: {  	[sflag:s21] =	ssyncset.done $0x0  }
0x88: {  	[sflag:s21] =	ssyncadd.s32 $0xFFFFFF80  }
0x89: {  	[spmem:s3] =	stream.indirect.scatter.add.f32 [tilespmem:s18], [sflag:$0x5], $0x1, s16, s14, $0xb8;
	[tilespmem:$0x3360] =	vst v63  }
0x8a: {  	_ =	swait.ge [sflag:s13], $0x80  }
0x8b: {  	[sflag:s13] =	ssyncset.done $0x0  }
0x8c: {  	[sflag:s13] =	ssyncadd.s32 $0xFFFFFF80  }
0x8d: {  	[bflag:$0x0] =	sbarrier.arrive $0xFFFF  }
0x8e: {  	[tilespmem:s12], [sflag:$0x5] =	stream.linear.gather [spmem:s5], $0x1870, $0x38;
	[tilespmem:$0x3360] =	vst v63  }
0x8f: {  	s22 =	sadd.s32 $0x1, s22;
	_ =	swait.ge [sflag:s13], $0x1870  }
0x90: {  	p0 =	sne.s32 s22, s7;
	[sflag:s13] =	ssyncset.done $0x0  }
.Ltmp1:
0x91: {  	[sflag:s13] =	ssyncadd.s32 $0xFFFFE790;
	(pc) =	sbr.rel @p0 .LBB2_1-.Ltmp1, $4  }
0x92: {  	[hbm4b:s6+s4] =	stream.linear.scatter [tilespmem:s12], [sflag:$0x5], $0x1870, $0x38;
	[tilespmem:$0x3360] =	vst v63  }
0x93: {  	_ =	swait.ge [sflag:s13], $0x1870  }
0x94: {  	[sflag:s13] =	ssyncset.done $0x0  }
0x95: {  	[sflag:s13] =	ssyncadd.s32 $0xFFFFE790  }
0x96: {  	_ =	sfence.sel $0x180000  }
0x97: {  	[bflag:$0x0] =	sbarrier.arrive $0xFFFF  }
0x98: {  	p0 =	sne.s32 s0, $0x0;
	_ =	strace $0x90000047  }
0x99: {  	s0 =	sadd.s32 @!p0 $0x100000, s2;
	[bflag:$0x2] =	sbarrier.arrive $0xFFFF  }
0x9a: {  	[sflag:s0] =	ssyncadd.tile.s32 @!p0 $0x1;
	_ =	shalt  }
.Lfunc_end2:
_tile_overlayer_lowered:
.L_overlay_start_2:
0x9b: {  	(tag) =	ssettag $0x2  }
0x9c: {  	s0 =	rddreg [dreg:$0x0];
	s2 =	stileid.u32  }
0x9d: {  	s1 =	rddreg [dreg:$0x1];
	p0 =	sne.s32 s2, $0x0  }
0x9e: {  	s3 =	rddreg [dreg:$0x2];
	[bflag:$0x3] =	sbarrier.arrive $0xFFFF;
	s2 =	simm.s32 @!p0 $0x1C05  }
0x9f: {  	[timem:s3], [sflag:s2] =	dma.local @!p0 [hbm:s0], s1  }
0xa0: {  	s0 =	simm.s32 @!p0 $0x5  }
0xa1: {  	_ =	swait.ge @!p0 [sflag:s0], s1  }
0xa2: {  	s1 =	ssub.s32 @!p0 $0x0, s1;
	[sflag:s0] =	ssyncset.done @!p0 $0x0  }
0xa3: {  	[sflag:s0] =	ssyncadd.s32 @!p0 s1  }
0xa4: {  	[bflag:$0x3] =	sbarrier.arrive $0xFFFF  }
0xa5: {  	_ =	shalt  }

</sc_bundles>
